<compile_context>
chip_gen: v7x
topology: tpu7x:2x2x1
jax: 0.10.2.dev20260603
libtpu: 0.0.44.dev20260713+nightly
codegen_flags: <defaults>
</compile_context>

<pallas_src>
import functools

import jax
import jax.numpy as jnp
from jax import lax
from jax.experimental import pallas as pl
from jax.experimental.pallas import tpu as pltpu
from jax.experimental.pallas import tpu_sc as plsc

_D = 128
_NW = 32
_C = 112
_JPW = 28
_S = _C * _JPW
_TSLICE = 632
_KH = 3


def _unpool_body(b, v, table_hbm, idx_hbm, out_hbm,
                 table_sp, idx_v, rows2, gsem, ssem, tsem):
    sid = lax.axis_index("s")
    wid = sid * 2 + lax.axis_index("c")
    base_w = jnp.minimum(wid * _S, b - _S)

    base_t = jnp.minimum(sid * _TSLICE, v - _TSLICE)
    pltpu.async_copy(
        table_hbm.at[pl.ds(base_t, _TSLICE)],
        table_sp.at[pl.ds(base_t, _TSLICE)], tsem)
    pltpu.sync_copy(idx_hbm.at[pl.ds(base_w, _S)], idx_v)

    def bufs(j):
        p = j % 2
        return (rows2.at[pl.ds(p * _C, _C)], gsem.at[p], ssem.at[p])

    def gather_h(j):
        rows, g, _ = bufs(j)
        pltpu.async_copy(table_hbm.at[idx_v.at[pl.ds(j * _C, _C)]], rows, g)

    def gather_h_wait(j):
        rows, g, _ = bufs(j)
        pltpu.make_async_copy(
            table_hbm.at[idx_v.at[pl.ds(j * _C, _C)]], rows, g).wait()

    def gather(j):
        rows, g, _ = bufs(j)
        pltpu.async_copy(table_sp.at[idx_v.at[pl.ds(j * _C, _C)]], rows, g)

    def gather_wait(j):
        rows, g, _ = bufs(j)
        pltpu.make_async_copy(
            table_sp.at[idx_v.at[pl.ds(j * _C, _C)]], rows, g).wait()

    def scatter_start(j):
        rows, _, s = bufs(j)
        pltpu.async_copy(rows, out_hbm.at[pl.ds(base_w + j * _C, _C)], s)

    def scatter_wait(j):
        rows, _, s = bufs(j)
        pltpu.make_async_copy(
            rows, out_hbm.at[pl.ds(base_w + j * _C, _C)], s).wait()

    gather_h(0)

    def peel(j, carry):
        @pl.when(j >= 1)
        def _():
            scatter_wait(j - 1)

        @pl.when(j + 1 < _KH)
        def _():
            gather_h(j + 1)

        @pl.when(j + 1 == _KH)
        def _():
            pltpu.make_async_copy(
                table_hbm.at[pl.ds(base_t, _TSLICE)],
                table_sp.at[pl.ds(base_t, _TSLICE)], tsem).wait()
            plsc.subcore_barrier()
            gather(j + 1)

        gather_h_wait(j)
        scatter_start(j)
        return carry

    lax.fori_loop(0, _KH, peel, 0)

    def body(j, carry):
        scatter_wait(j - 1)

        @pl.when(j + 1 < _JPW)
        def _():
            gather(j + 1)

        gather_wait(j)
        scatter_start(j)
        return carry

    lax.fori_loop(_KH, _JPW, body, 0)
    scatter_wait(_JPW - 1)


def kernel(x_pooled, batch, num_nodes):
    del num_nodes
    b = batch.shape[0]
    v = x_pooled.shape[0]
    idx = batch.astype(jnp.int32)

    f = pl.kernel(
        functools.partial(_unpool_body, b, v),
        mesh=plsc.VectorSubcoreMesh(core_axis_name="c", subcore_axis_name="s"),
        out_type=jax.ShapeDtypeStruct((b, _D), jnp.float32),
        scratch_types=[
            pltpu.VMEM_SHARED((10000, _D), jnp.float32),
            pltpu.VMEM((_S,), jnp.int32),
            pltpu.VMEM((2 * _C, _D), jnp.float32),
            pltpu.SemaphoreType.DMA((2,)),
            pltpu.SemaphoreType.DMA((2,)),
            pltpu.SemaphoreType.DMA,
        ],
    )
    return f(x_pooled, idx)

# --- scband reference (transcript-rebuilt; emitter-appended) ---
"""Pipeline reference for scband-unpooling-layer-81398220193832 (READ-ONLY COPY).

The authoritative reference and input builder live on the scoring server;
editing this copy changes nothing except your own understanding.
"""

import jax, jax.numpy as jnp
import numpy as np


def setup_inputs(seed: int = 0) -> dict:
    key = jax.random.key(seed)
    k1, k2 = jax.random.split(key)
    x_pooled = jax.random.normal(k1, (10000, 128), dtype=jnp.float32)
    batch = jax.random.randint(k2, (100000,), 0, 10000, dtype=jnp.int64)
    num_nodes = 100000
    return {"x_pooled": x_pooled, "batch": batch, "num_nodes": num_nodes}


def reference(x_pooled, batch, num_nodes):
    # Faithful translation of UnpoolingLayer.forward: gather pooled features
    # back to node-level resolution via cluster assignment indices.
    unpooled_x = jnp.take(x_pooled, batch, axis=0)
    return unpooled_x

if __name__ == "__main__":
    import jax
    _d = setup_inputs()
    print(jax.jit(kernel)(*tuple(_d.values())))

</pallas_src>

<mosaic_0001>
#map = affine_map<(d0, d1) -> (0, 0)>
#map1 = affine_map<(d0, d1) -> (0)>
module attributes {stable_mosaic.version = 14 : i64} {
  func.func @_unpool_body(%arg0: i32, %arg1: i32, %arg2: memref<10000x128xf32, #tpu.memory_space<hbm>>, %arg3: memref<100000xi32, #tpu.memory_space<hbm>>, %arg4: memref<100000x128xf32, #tpu.memory_space<hbm>>, %arg5: memref<10000x128xf32, #tpu.memory_space<vmem_shared>>, %arg6: memref<3136xi32, #tpu.memory_space<vmem>>, %arg7: memref<224x128xf32, #tpu.memory_space<vmem>>, %arg8: memref<2x!tpu.dma_semaphore, #tpu.memory_space<semaphore_mem>>, %arg9: memref<2x!tpu.dma_semaphore, #tpu.memory_space<semaphore_mem>>, %arg10: memref<!tpu.dma_semaphore, #tpu.memory_space<semaphore_mem>>) attributes {dimension_semantics = [#tpu.dimension_semantics<core_parallel>, #tpu.dimension_semantics<subcore_parallel>], iteration_bounds = array<i64: 2, 16>, scalar_prefetch = 0 : i64, scratch_operands = 6 : i64, tpu.core_type = #tpu.core_type<sc_vector_subcore>, window_params = [{transform_indices = #map}, {transform_indices = #map1}, {transform_indices = #map}]} {
    %mul3A = arith.constant 2 : i32
    %mul3A_0 = arith.muli %arg1, %mul3A : i32
    %add3A = arith.addi %mul3A_0, %arg0 : i32
    %mul3A_1 = arith.constant 3136 : i32
    %mul3A_2 = arith.muli %add3A, %mul3A_1 : i32
    %min3A = arith.constant 96864 : i32
    %min3A_3 = arith.minsi %mul3A_2, %min3A : i32
    %mul3A_4 = arith.constant 632 : i32
    %mul3A_5 = arith.muli %arg1, %mul3A_4 : i32
    %min3A_6 = arith.constant 9368 : i32
    %min3A_7 = arith.minsi %mul3A_5, %min3A_6 : i32
    %dma_start3A = arith.constant 0 : i32
    %dma_start3A_8 = tpu.memref_slice %arg5[%min3A_7, %dma_start3A] : memref<10000x128xf32, #tpu.memory_space<vmem_shared>> -> memref<632x128xf32, #tpu.memory_space<vmem_shared>>
    %dma_start3A_9 = arith.constant 0 : i32
    %dma_start3A_10 = tpu.memref_slice %arg2[%min3A_7, %dma_start3A_9] : memref<10000x128xf32, #tpu.memory_space<hbm>> -> memref<632x128xf32, #tpu.memory_space<hbm>>
    tpu.enqueue_dma source(%dma_start3A_10 : memref<632x128xf32, #tpu.memory_space<hbm>>) target(%dma_start3A_8 : memref<632x128xf32, #tpu.memory_space<vmem_shared>>) target_semaphore(%arg10 : memref<!tpu.dma_semaphore, #tpu.memory_space<semaphore_mem>>)
    "tpu.region"() ({
      %run_scoped3A = tpu.sem_alloc : memref<!tpu.dma_semaphore, #tpu.memory_space<semaphore_mem>>
      %dma_start3A_47 = tpu.memref_slice %arg3[%min3A_3] : memref<100000xi32, #tpu.memory_space<hbm>> -> memref<3136xi32, #tpu.memory_space<hbm>>
      %dma_start3A_48 = tpu.memref_slice %arg3[%min3A_3] : memref<100000xi32, #tpu.memory_space<hbm>> -> memref<3136xi32, #tpu.memory_space<hbm>>
      tpu.enqueue_dma source(%dma_start3A_48 : memref<3136xi32, #tpu.memory_space<hbm>>) target(%arg6 : memref<3136xi32, #tpu.memory_space<vmem>>) target_semaphore(%run_scoped3A : memref<!tpu.dma_semaphore, #tpu.memory_space<semaphore_mem>>)
      %dma_wait3A_49 = tpu.memref_slice %arg3[%min3A_3] : memref<100000xi32, #tpu.memory_space<hbm>> -> memref<3136xi32, #tpu.memory_space<hbm>>
      %dma_wait3A_50 = tpu.memref_slice %arg3[%min3A_3] : memref<100000xi32, #tpu.memory_space<hbm>> -> memref<3136xi32, #tpu.memory_space<hbm>>
      tpu.wait_dma2 semaphore(%run_scoped3A : memref<!tpu.dma_semaphore, #tpu.memory_space<semaphore_mem>>) src(%dma_wait3A_50 : memref<3136xi32, #tpu.memory_space<hbm>>) dst(%arg6 : memref<3136xi32, #tpu.memory_space<vmem>>)
      tpu.yield
    }) : () -> ()
    %dma_start3A_11 = arith.constant 0 : i32
    %dma_start3A_12 = arith.constant 0 : i32
    %dma_start3A_13 = arith.constant 0 : i32
    %dma_start3A_14 = tpu.memref_slice %arg7[%dma_start3A_12, %dma_start3A_13] : memref<224x128xf32, #tpu.memory_space<vmem>> -> memref<112x128xf32, #tpu.memory_space<vmem>>
    %dma_start3A_15 = arith.constant 0 : i32
    %dma_start3A_16 = tpu.memref_slice %arg6[%dma_start3A_15] : memref<3136xi32, #tpu.memory_space<vmem>> -> memref<112xi32, #tpu.memory_space<vmem>>
    %dma_start3A_17 = arith.constant 0 : i32
    %dma_start3A_18 = arith.constant 0 : i32
    %dma_start3A_19 = tpu.memref_slice %arg2[%dma_start3A_17, %dma_start3A_18] : memref<10000x128xf32, #tpu.memory_space<hbm>> -> memref<10000x128xf32, #tpu.memory_space<hbm>>
    %dma_start3A_20 = tpu.memref_slice %arg8[%dma_start3A_11] : memref<2x!tpu.dma_semaphore, #tpu.memory_space<semaphore_mem>> -> memref<1x!tpu.dma_semaphore, #tpu.memory_space<semaphore_mem>>
    %dma_start3A_21 = tpu.memref_squeeze %dma_start3A_20 : memref<1x!tpu.dma_semaphore, #tpu.memory_space<semaphore_mem>> -> memref<!tpu.dma_semaphore, #tpu.memory_space<semaphore_mem>>
    tpu.enqueue_indirect_dma source(%dma_start3A_19 : memref<10000x128xf32, #tpu.memory_space<hbm>>) target(%dma_start3A_14 : memref<112x128xf32, #tpu.memory_space<vmem>>) offsets(%dma_start3A_16 : memref<112xi32, #tpu.memory_space<vmem>>) semaphore(%dma_start3A_21 : memref<!tpu.dma_semaphore, #tpu.memory_space<semaphore_mem>>)
    %scan3A = arith.constant 0 : i32
    %scan3A_22 = arith.constant 0 : i32
    %scan3A_23 = arith.constant 3 : i32
    %scan3A_24 = arith.addi %scan3A_22, %scan3A_23 : i32
    %scan3A_25 = arith.constant 1 : i32
    scf.for %scan3A_47 = %scan3A_22 to %scan3A_24 step %scan3A_25  : i32 {
      %ge3A = arith.constant 1 : i32
      %ge3A_48 = arith.cmpi sge, %scan3A_47, %ge3A : i32
      %convert_element_type3A = arith.extui %ge3A_48 : i1 to i32
      %cond3A = arith.constant 0 : i32
      %cond3A_49 = arith.cmpi ne, %convert_element_type3A, %cond3A : i32
      scf.if %cond3A_49 {
        %sub3A = arith.constant 1 : i32
        %sub3A_116 = arith.subi %scan3A_47, %sub3A : i32
        %jit3A_117 = arith.constant 2 : i32
        %eq3A_118 = arith.constant 0 : i32
        %eq3A_119 = arith.cmpi eq, %jit3A_117, %eq3A_118 : i32
        %jit3A_120 = arith.constant 1 : i32
        %select_n3A_121 = arith.select %eq3A_119, %jit3A_120, %jit3A_117 : i32
        %rem3A_122 = arith.remsi %sub3A_116, %select_n3A_121 : i32
        %ne3A_123 = arith.constant 0 : i32
        %ne3A_124 = arith.cmpi ne, %rem3A_122, %ne3A_123 : i32
        %lt3A_125 = arith.constant 0 : i32
        %lt3A_126 = arith.cmpi slt, %rem3A_122, %lt3A_125 : i32
        %lt3A_127 = arith.constant 0 : i32
        %lt3A_128 = arith.cmpi slt, %select_n3A_121, %lt3A_127 : i32
        %ne3A_129 = arith.xori %lt3A_126, %lt3A_128 : i1
        %and3A_130 = arith.andi %ne3A_129, %ne3A_124 : i1
        %add3A_131 = arith.addi %rem3A_122, %select_n3A_121 : i32
        %select_n3A_132 = arith.select %and3A_130, %add3A_131, %rem3A_122 : i32
        %mul3A_133 = arith.constant 112 : i32
        %mul3A_134 = arith.muli %select_n3A_132, %mul3A_133 : i32
        %mul3A_135 = arith.constant 112 : i32
        %mul3A_136 = arith.muli %sub3A_116, %mul3A_135 : i32
        %add3A_137 = arith.addi %min3A_3, %mul3A_136 : i32
        %dma_wait3A_138 = arith.constant 0 : i32
        %dma_wait3A_139 = tpu.memref_slice %arg7[%mul3A_134, %dma_wait3A_138] : memref<224x128xf32, #tpu.memory_space<vmem>> -> memref<112x128xf32, #tpu.memory_space<vmem>>
        %dma_wait3A_140 = arith.constant 0 : i32
        %dma_wait3A_141 = tpu.memref_slice %arg4[%add3A_137, %dma_wait3A_140] : memref<100000x128xf32, #tpu.memory_space<hbm>> -> memref<112x128xf32, #tpu.memory_space<hbm>>
        %dma_wait3A_142 = tpu.memref_slice %arg9[%select_n3A_132] : memref<2x!tpu.dma_semaphore, #tpu.memory_space<semaphore_mem>> -> memref<1x!tpu.dma_semaphore, #tpu.memory_space<semaphore_mem>>
        %dma_wait3A_143 = tpu.memref_squeeze %dma_wait3A_142 : memref<1x!tpu.dma_semaphore, #tpu.memory_space<semaphore_mem>> -> memref<!tpu.dma_semaphore, #tpu.memory_space<semaphore_mem>>
        %dma_wait3A_144 = arith.constant 0 : i32
        %dma_wait3A_145 = tpu.memref_slice %arg4[%add3A_137, %dma_wait3A_144] : memref<100000x128xf32, #tpu.memory_space<hbm>> -> memref<112x128xf32, #tpu.memory_space<hbm>>
        %dma_wait3A_146 = arith.constant 0 : i32
        %dma_wait3A_147 = tpu.memref_slice %arg7[%mul3A_134, %dma_wait3A_146] : memref<224x128xf32, #tpu.memory_space<vmem>> -> memref<112x128xf32, #tpu.memory_space<vmem>>
        tpu.wait_dma2 semaphore(%dma_wait3A_143 : memref<!tpu.dma_semaphore, #tpu.memory_space<semaphore_mem>>) src(%dma_wait3A_147 : memref<112x128xf32, #tpu.memory_space<vmem>>) dst(%dma_wait3A_145 : memref<112x128xf32, #tpu.memory_space<hbm>>)
      } else {
      }
      %add3A_50 = arith.constant 1 : i32
      %add3A_51 = arith.addi %scan3A_47, %add3A_50 : i32
      %lt3A = arith.constant 3 : i32
      %lt3A_52 = arith.cmpi slt, %add3A_51, %lt3A : i32
      %convert_element_type3A_53 = arith.extui %lt3A_52 : i1 to i32
      %cond3A_54 = arith.constant 0 : i32
      %cond3A_55 = arith.cmpi ne, %convert_element_type3A_53, %cond3A_54 : i32
      scf.if %cond3A_55 {
        %add3A_116 = arith.constant 1 : i32
        %add3A_117 = arith.addi %scan3A_47, %add3A_116 : i32
        %jit3A_118 = arith.constant 2 : i32
        %eq3A_119 = arith.constant 0 : i32
        %eq3A_120 = arith.cmpi eq, %jit3A_118, %eq3A_119 : i32
        %jit3A_121 = arith.constant 1 : i32
        %select_n3A_122 = arith.select %eq3A_120, %jit3A_121, %jit3A_118 : i32
        %rem3A_123 = arith.remsi %add3A_117, %select_n3A_122 : i32
        %ne3A_124 = arith.constant 0 : i32
        %ne3A_125 = arith.cmpi ne, %rem3A_123, %ne3A_124 : i32
        %lt3A_126 = arith.constant 0 : i32
        %lt3A_127 = arith.cmpi slt, %rem3A_123, %lt3A_126 : i32
        %lt3A_128 = arith.constant 0 : i32
        %lt3A_129 = arith.cmpi slt, %select_n3A_122, %lt3A_128 : i32
        %ne3A_130 = arith.xori %lt3A_127, %lt3A_129 : i1
        %and3A_131 = arith.andi %ne3A_130, %ne3A_125 : i1
        %add3A_132 = arith.addi %rem3A_123, %select_n3A_122 : i32
        %select_n3A_133 = arith.select %and3A_131, %add3A_132, %rem3A_123 : i32
        %mul3A_134 = arith.constant 112 : i32
        %mul3A_135 = arith.muli %select_n3A_133, %mul3A_134 : i32
        %mul3A_136 = arith.constant 112 : i32
        %mul3A_137 = arith.muli %add3A_117, %mul3A_136 : i32
        %dma_start3A_138 = arith.constant 0 : i32
        %dma_start3A_139 = tpu.memref_slice %arg7[%mul3A_135, %dma_start3A_138] : memref<224x128xf32, #tpu.memory_space<vmem>> -> memref<112x128xf32, #tpu.memory_space<vmem>>
        %dma_start3A_140 = tpu.memref_slice %arg6[%mul3A_137] : memref<3136xi32, #tpu.memory_space<vmem>> -> memref<112xi32, #tpu.memory_space<vmem>>
        %dma_start3A_141 = arith.constant 0 : i32
        %dma_start3A_142 = arith.constant 0 : i32
        %dma_start3A_143 = tpu.memref_slice %arg2[%dma_start3A_141, %dma_start3A_142] : memref<10000x128xf32, #tpu.memory_space<hbm>> -> memref<10000x128xf32, #tpu.memory_space<hbm>>
        %dma_start3A_144 = tpu.memref_slice %arg8[%select_n3A_133] : memref<2x!tpu.dma_semaphore, #tpu.memory_space<semaphore_mem>> -> memref<1x!tpu.dma_semaphore, #tpu.memory_space<semaphore_mem>>
        %dma_start3A_145 = tpu.memref_squeeze %dma_start3A_144 : memref<1x!tpu.dma_semaphore, #tpu.memory_space<semaphore_mem>> -> memref<!tpu.dma_semaphore, #tpu.memory_space<semaphore_mem>>
        tpu.enqueue_indirect_dma source(%dma_start3A_143 : memref<10000x128xf32, #tpu.memory_space<hbm>>) target(%dma_start3A_139 : memref<112x128xf32, #tpu.memory_space<vmem>>) offsets(%dma_start3A_140 : memref<112xi32, #tpu.memory_space<vmem>>) semaphore(%dma_start3A_145 : memref<!tpu.dma_semaphore, #tpu.memory_space<semaphore_mem>>)
      } else {
      }
      %add3A_56 = arith.constant 1 : i32
      %add3A_57 = arith.addi %scan3A_47, %add3A_56 : i32
      %eq3A = arith.constant 3 : i32
      %eq3A_58 = arith.cmpi eq, %add3A_57, %eq3A : i32
      %convert_element_type3A_59 = arith.extui %eq3A_58 : i1 to i32
      %cond3A_60 = arith.constant 0 : i32
      %cond3A_61 = arith.cmpi ne, %convert_element_type3A_59, %cond3A_60 : i32
      scf.if %cond3A_61 {
        %dma_wait3A_116 = arith.constant 0 : i32
        %dma_wait3A_117 = tpu.memref_slice %arg5[%min3A_7, %dma_wait3A_116] : memref<10000x128xf32, #tpu.memory_space<vmem_shared>> -> memref<632x128xf32, #tpu.memory_space<vmem_shared>>
        %dma_wait3A_118 = arith.constant 0 : i32
        %dma_wait3A_119 = tpu.memref_slice %arg2[%min3A_7, %dma_wait3A_118] : memref<10000x128xf32, #tpu.memory_space<hbm>> -> memref<632x128xf32, #tpu.memory_space<hbm>>
        tpu.wait_dma2 semaphore(%arg10 : memref<!tpu.dma_semaphore, #tpu.memory_space<semaphore_mem>>) src(%dma_wait3A_119 : memref<632x128xf32, #tpu.memory_space<hbm>>) dst(%dma_wait3A_117 : memref<632x128xf32, #tpu.memory_space<vmem_shared>>)
        %barrier3A = arith.constant 0 : index
        tpu.barrier barrier_id(%barrier3A)
        %add3A_120 = arith.constant 1 : i32
        %add3A_121 = arith.addi %scan3A_47, %add3A_120 : i32
        %jit3A_122 = arith.constant 2 : i32
        %eq3A_123 = arith.constant 0 : i32
        %eq3A_124 = arith.cmpi eq, %jit3A_122, %eq3A_123 : i32
        %jit3A_125 = arith.constant 1 : i32
        %select_n3A_126 = arith.select %eq3A_124, %jit3A_125, %jit3A_122 : i32
        %rem3A_127 = arith.remsi %add3A_121, %select_n3A_126 : i32
        %ne3A_128 = arith.constant 0 : i32
        %ne3A_129 = arith.cmpi ne, %rem3A_127, %ne3A_128 : i32
        %lt3A_130 = arith.constant 0 : i32
        %lt3A_131 = arith.cmpi slt, %rem3A_127, %lt3A_130 : i32
        %lt3A_132 = arith.constant 0 : i32
        %lt3A_133 = arith.cmpi slt, %select_n3A_126, %lt3A_132 : i32
        %ne3A_134 = arith.xori %lt3A_131, %lt3A_133 : i1
        %and3A_135 = arith.andi %ne3A_134, %ne3A_129 : i1
        %add3A_136 = arith.addi %rem3A_127, %select_n3A_126 : i32
        %select_n3A_137 = arith.select %and3A_135, %add3A_136, %rem3A_127 : i32
        %mul3A_138 = arith.constant 112 : i32
        %mul3A_139 = arith.muli %select_n3A_137, %mul3A_138 : i32
        %mul3A_140 = arith.constant 112 : i32
        %mul3A_141 = arith.muli %add3A_121, %mul3A_140 : i32
        %dma_start3A_142 = arith.constant 0 : i32
        %dma_start3A_143 = tpu.memref_slice %arg7[%mul3A_139, %dma_start3A_142] : memref<224x128xf32, #tpu.memory_space<vmem>> -> memref<112x128xf32, #tpu.memory_space<vmem>>
        %dma_start3A_144 = tpu.memref_slice %arg6[%mul3A_141] : memref<3136xi32, #tpu.memory_space<vmem>> -> memref<112xi32, #tpu.memory_space<vmem>>
        %dma_start3A_145 = arith.constant 0 : i32
        %dma_start3A_146 = arith.constant 0 : i32
        %dma_start3A_147 = tpu.memref_slice %arg5[%dma_start3A_145, %dma_start3A_146] : memref<10000x128xf32, #tpu.memory_space<vmem_shared>> -> memref<10000x128xf32, #tpu.memory_space<vmem_shared>>
        %dma_start3A_148 = tpu.memref_slice %arg8[%select_n3A_137] : memref<2x!tpu.dma_semaphore, #tpu.memory_space<semaphore_mem>> -> memref<1x!tpu.dma_semaphore, #tpu.memory_space<semaphore_mem>>
        %dma_start3A_149 = tpu.memref_squeeze %dma_start3A_148 : memref<1x!tpu.dma_semaphore, #tpu.memory_space<semaphore_mem>> -> memref<!tpu.dma_semaphore, #tpu.memory_space<semaphore_mem>>
        tpu.enqueue_indirect_dma source(%dma_start3A_147 : memref<10000x128xf32, #tpu.memory_space<vmem_shared>>) target(%dma_start3A_143 : memref<112x128xf32, #tpu.memory_space<vmem>>) offsets(%dma_start3A_144 : memref<112xi32, #tpu.memory_space<vmem>>) semaphore(%dma_start3A_149 : memref<!tpu.dma_semaphore, #tpu.memory_space<semaphore_mem>>)
      } else {
      }
      %jit3A = arith.constant 2 : i32
      %eq3A_62 = arith.constant 0 : i32
      %eq3A_63 = arith.cmpi eq, %jit3A, %eq3A_62 : i32
      %jit3A_64 = arith.constant 1 : i32
      %select_n3A = arith.select %eq3A_63, %jit3A_64, %jit3A : i32
      %rem3A = arith.remsi %scan3A_47, %select_n3A : i32
      %ne3A = arith.constant 0 : i32
      %ne3A_65 = arith.cmpi ne, %rem3A, %ne3A : i32
      %lt3A_66 = arith.constant 0 : i32
      %lt3A_67 = arith.cmpi slt, %rem3A, %lt3A_66 : i32
      %lt3A_68 = arith.constant 0 : i32
      %lt3A_69 = arith.cmpi slt, %select_n3A, %lt3A_68 : i32
      %ne3A_70 = arith.xori %lt3A_67, %lt3A_69 : i1
      %and3A = arith.andi %ne3A_70, %ne3A_65 : i1
      %add3A_71 = arith.addi %rem3A, %select_n3A : i32
      %select_n3A_72 = arith.select %and3A, %add3A_71, %rem3A : i32
      %mul3A_73 = arith.constant 112 : i32
      %mul3A_74 = arith.muli %select_n3A_72, %mul3A_73 : i32
      %mul3A_75 = arith.constant 112 : i32
      %mul3A_76 = arith.muli %scan3A_47, %mul3A_75 : i32
      %dma_wait3A_77 = arith.constant 0 : i32
      %dma_wait3A_78 = tpu.memref_slice %arg7[%mul3A_74, %dma_wait3A_77] : memref<224x128xf32, #tpu.memory_space<vmem>> -> memref<112x128xf32, #tpu.memory_space<vmem>>
      %dma_wait3A_79 = tpu.memref_slice %arg6[%mul3A_76] : memref<3136xi32, #tpu.memory_space<vmem>> -> memref<112xi32, #tpu.memory_space<vmem>>
      %dma_wait3A_80 = arith.constant 0 : i32
      %dma_wait3A_81 = arith.constant 0 : i32
      %dma_wait3A_82 = tpu.memref_slice %arg2[%dma_wait3A_80, %dma_wait3A_81] : memref<10000x128xf32, #tpu.memory_space<hbm>> -> memref<10000x128xf32, #tpu.memory_space<hbm>>
      %dma_wait3A_83 = tpu.memref_slice %arg8[%select_n3A_72] : memref<2x!tpu.dma_semaphore, #tpu.memory_space<semaphore_mem>> -> memref<1x!tpu.dma_semaphore, #tpu.memory_space<semaphore_mem>>
      %dma_wait3A_84 = tpu.memref_squeeze %dma_wait3A_83 : memref<1x!tpu.dma_semaphore, #tpu.memory_space<semaphore_mem>> -> memref<!tpu.dma_semaphore, #tpu.memory_space<semaphore_mem>>
      tpu.wait_indirect_dma semaphore(%dma_wait3A_84 : memref<!tpu.dma_semaphore, #tpu.memory_space<semaphore_mem>>) src(%dma_wait3A_82 : memref<10000x128xf32, #tpu.memory_space<hbm>>) dst(%dma_wait3A_78 : memref<112x128xf32, #tpu.memory_space<vmem>>)
      %jit3A_85 = arith.constant 2 : i32
      %eq3A_86 = arith.constant 0 : i32
      %eq3A_87 = arith.cmpi eq, %jit3A_85, %eq3A_86 : i32
      %jit3A_88 = arith.constant 1 : i32
      %select_n3A_89 = arith.select %eq3A_87, %jit3A_88, %jit3A_85 : i32
      %rem3A_90 = arith.remsi %scan3A_47, %select_n3A_89 : i32
      %ne3A_91 = arith.constant 0 : i32
      %ne3A_92 = arith.cmpi ne, %rem3A_90, %ne3A_91 : i32
      %lt3A_93 = arith.constant 0 : i32
      %lt3A_94 = arith.cmpi slt, %rem3A_90, %lt3A_93 : i32
      %lt3A_95 = arith.constant 0 : i32
      %lt3A_96 = arith.cmpi slt, %select_n3A_89, %lt3A_95 : i32
      %ne3A_97 = arith.xori %lt3A_94, %lt3A_96 : i1
      %and3A_98 = arith.andi %ne3A_97, %ne3A_92 : i1
      %add3A_99 = arith.addi %rem3A_90, %select_n3A_89 : i32
      %select_n3A_100 = arith.select %and3A_98, %add3A_99, %rem3A_90 : i32
      %mul3A_101 = arith.constant 112 : i32
      %mul3A_102 = arith.muli %select_n3A_100, %mul3A_101 : i32
      %mul3A_103 = arith.constant 112 : i32
      %mul3A_104 = arith.muli %scan3A_47, %mul3A_103 : i32
      %add3A_105 = arith.addi %min3A_3, %mul3A_104 : i32
      %dma_start3A_106 = arith.constant 0 : i32
      %dma_start3A_107 = tpu.memref_slice %arg7[%mul3A_102, %dma_start3A_106] : memref<224x128xf32, #tpu.memory_space<vmem>> -> memref<112x128xf32, #tpu.memory_space<vmem>>
      %dma_start3A_108 = arith.constant 0 : i32
      %dma_start3A_109 = tpu.memref_slice %arg4[%add3A_105, %dma_start3A_108] : memref<100000x128xf32, #tpu.memory_space<hbm>> -> memref<112x128xf32, #tpu.memory_space<hbm>>
      %dma_start3A_110 = tpu.memref_slice %arg9[%select_n3A_100] : memref<2x!tpu.dma_semaphore, #tpu.memory_space<semaphore_mem>> -> memref<1x!tpu.dma_semaphore, #tpu.memory_space<semaphore_mem>>
      %dma_start3A_111 = tpu.memref_squeeze %dma_start3A_110 : memref<1x!tpu.dma_semaphore, #tpu.memory_space<semaphore_mem>> -> memref<!tpu.dma_semaphore, #tpu.memory_space<semaphore_mem>>
      %dma_start3A_112 = arith.constant 0 : i32
      %dma_start3A_113 = tpu.memref_slice %arg4[%add3A_105, %dma_start3A_112] : memref<100000x128xf32, #tpu.memory_space<hbm>> -> memref<112x128xf32, #tpu.memory_space<hbm>>
      %dma_start3A_114 = arith.constant 0 : i32
      %dma_start3A_115 = tpu.memref_slice %arg7[%mul3A_102, %dma_start3A_114] : memref<224x128xf32, #tpu.memory_space<vmem>> -> memref<112x128xf32, #tpu.memory_space<vmem>>
      tpu.enqueue_dma source(%dma_start3A_115 : memref<112x128xf32, #tpu.memory_space<vmem>>) target(%dma_start3A_113 : memref<112x128xf32, #tpu.memory_space<hbm>>) target_semaphore(%dma_start3A_111 : memref<!tpu.dma_semaphore, #tpu.memory_space<semaphore_mem>>)
    }
    %scan3A_26 = arith.constant 3 : i32
    %scan3A_27 = arith.constant 0 : i32
    %scan3A_28 = arith.constant 3 : i32
    %scan3A_29 = arith.constant 25 : i32
    %scan3A_30 = arith.addi %scan3A_28, %scan3A_29 : i32
    %scan3A_31 = arith.constant 1 : i32
    scf.for %scan3A_47 = %scan3A_28 to %scan3A_30 step %scan3A_31  : i32 {
      %sub3A = arith.constant 1 : i32
      %sub3A_48 = arith.subi %scan3A_47, %sub3A : i32
      %jit3A = arith.constant 2 : i32
      %eq3A = arith.constant 0 : i32
      %eq3A_49 = arith.cmpi eq, %jit3A, %eq3A : i32
      %jit3A_50 = arith.constant 1 : i32
      %select_n3A = arith.select %eq3A_49, %jit3A_50, %jit3A : i32
      %rem3A = arith.remsi %sub3A_48, %select_n3A : i32
      %ne3A = arith.constant 0 : i32
      %ne3A_51 = arith.cmpi ne, %rem3A, %ne3A : i32
      %lt3A = arith.constant 0 : i32
      %lt3A_52 = arith.cmpi slt, %rem3A, %lt3A : i32
      %lt3A_53 = arith.constant 0 : i32
      %lt3A_54 = arith.cmpi slt, %select_n3A, %lt3A_53 : i32
      %ne3A_55 = arith.xori %lt3A_52, %lt3A_54 : i1
      %and3A = arith.andi %ne3A_55, %ne3A_51 : i1
      %add3A_56 = arith.addi %rem3A, %select_n3A : i32
      %select_n3A_57 = arith.select %and3A, %add3A_56, %rem3A : i32
      %mul3A_58 = arith.constant 112 : i32
      %mul3A_59 = arith.muli %select_n3A_57, %mul3A_58 : i32
      %mul3A_60 = arith.constant 112 : i32
      %mul3A_61 = arith.muli %sub3A_48, %mul3A_60 : i32
      %add3A_62 = arith.addi %min3A_3, %mul3A_61 : i32
      %dma_wait3A_63 = arith.constant 0 : i32
      %dma_wait3A_64 = tpu.memref_slice %arg7[%mul3A_59, %dma_wait3A_63] : memref<224x128xf32, #tpu.memory_space<vmem>> -> memref<112x128xf32, #tpu.memory_space<vmem>>
      %dma_wait3A_65 = arith.constant 0 : i32
      %dma_wait3A_66 = tpu.memref_slice %arg4[%add3A_62, %dma_wait3A_65] : memref<100000x128xf32, #tpu.memory_space<hbm>> -> memref<112x128xf32, #tpu.memory_space<hbm>>
      %dma_wait3A_67 = tpu.memref_slice %arg9[%select_n3A_57] : memref<2x!tpu.dma_semaphore, #tpu.memory_space<semaphore_mem>> -> memref<1x!tpu.dma_semaphore, #tpu.memory_space<semaphore_mem>>
      %dma_wait3A_68 = tpu.memref_squeeze %dma_wait3A_67 : memref<1x!tpu.dma_semaphore, #tpu.memory_space<semaphore_mem>> -> memref<!tpu.dma_semaphore, #tpu.memory_space<semaphore_mem>>
      %dma_wait3A_69 = arith.constant 0 : i32
      %dma_wait3A_70 = tpu.memref_slice %arg4[%add3A_62, %dma_wait3A_69] : memref<100000x128xf32, #tpu.memory_space<hbm>> -> memref<112x128xf32, #tpu.memory_space<hbm>>
      %dma_wait3A_71 = arith.constant 0 : i32
      %dma_wait3A_72 = tpu.memref_slice %arg7[%mul3A_59, %dma_wait3A_71] : memref<224x128xf32, #tpu.memory_space<vmem>> -> memref<112x128xf32, #tpu.memory_space<vmem>>
      tpu.wait_dma2 semaphore(%dma_wait3A_68 : memref<!tpu.dma_semaphore, #tpu.memory_space<semaphore_mem>>) src(%dma_wait3A_72 : memref<112x128xf32, #tpu.memory_space<vmem>>) dst(%dma_wait3A_70 : memref<112x128xf32, #tpu.memory_space<hbm>>)
      %add3A_73 = arith.constant 1 : i32
      %add3A_74 = arith.addi %scan3A_47, %add3A_73 : i32
      %lt3A_75 = arith.constant 28 : i32
      %lt3A_76 = arith.cmpi slt, %add3A_74, %lt3A_75 : i32
      %convert_element_type3A = arith.extui %lt3A_76 : i1 to i32
      %cond3A = arith.constant 0 : i32
      %cond3A_77 = arith.cmpi ne, %convert_element_type3A, %cond3A : i32
      scf.if %cond3A_77 {
        %add3A_137 = arith.constant 1 : i32
        %add3A_138 = arith.addi %scan3A_47, %add3A_137 : i32
        %jit3A_139 = arith.constant 2 : i32
        %eq3A_140 = arith.constant 0 : i32
        %eq3A_141 = arith.cmpi eq, %jit3A_139, %eq3A_140 : i32
        %jit3A_142 = arith.constant 1 : i32
        %select_n3A_143 = arith.select %eq3A_141, %jit3A_142, %jit3A_139 : i32
        %rem3A_144 = arith.remsi %add3A_138, %select_n3A_143 : i32
        %ne3A_145 = arith.constant 0 : i32
        %ne3A_146 = arith.cmpi ne, %rem3A_144, %ne3A_145 : i32
        %lt3A_147 = arith.constant 0 : i32
        %lt3A_148 = arith.cmpi slt, %rem3A_144, %lt3A_147 : i32
        %lt3A_149 = arith.constant 0 : i32
        %lt3A_150 = arith.cmpi slt, %select_n3A_143, %lt3A_149 : i32
        %ne3A_151 = arith.xori %lt3A_148, %lt3A_150 : i1
        %and3A_152 = arith.andi %ne3A_151, %ne3A_146 : i1
        %add3A_153 = arith.addi %rem3A_144, %select_n3A_143 : i32
        %select_n3A_154 = arith.select %and3A_152, %add3A_153, %rem3A_144 : i32
        %mul3A_155 = arith.constant 112 : i32
        %mul3A_156 = arith.muli %select_n3A_154, %mul3A_155 : i32
        %mul3A_157 = arith.constant 112 : i32
        %mul3A_158 = arith.muli %add3A_138, %mul3A_157 : i32
        %dma_start3A_159 = arith.constant 0 : i32
        %dma_start3A_160 = tpu.memref_slice %arg7[%mul3A_156, %dma_start3A_159] : memref<224x128xf32, #tpu.memory_space<vmem>> -> memref<112x128xf32, #tpu.memory_space<vmem>>
        %dma_start3A_161 = tpu.memref_slice %arg6[%mul3A_158] : memref<3136xi32, #tpu.memory_space<vmem>> -> memref<112xi32, #tpu.memory_space<vmem>>
        %dma_start3A_162 = arith.constant 0 : i32
        %dma_start3A_163 = arith.constant 0 : i32
        %dma_start3A_164 = tpu.memref_slice %arg5[%dma_start3A_162, %dma_start3A_163] : memref<10000x128xf32, #tpu.memory_space<vmem_shared>> -> memref<10000x128xf32, #tpu.memory_space<vmem_shared>>
        %dma_start3A_165 = tpu.memref_slice %arg8[%select_n3A_154] : memref<2x!tpu.dma_semaphore, #tpu.memory_space<semaphore_mem>> -> memref<1x!tpu.dma_semaphore, #tpu.memory_space<semaphore_mem>>
        %dma_start3A_166 = tpu.memref_squeeze %dma_start3A_165 : memref<1x!tpu.dma_semaphore, #tpu.memory_space<semaphore_mem>> -> memref<!tpu.dma_semaphore, #tpu.memory_space<semaphore_mem>>
        tpu.enqueue_indirect_dma source(%dma_start3A_164 : memref<10000x128xf32, #tpu.memory_space<vmem_shared>>) target(%dma_start3A_160 : memref<112x128xf32, #tpu.memory_space<vmem>>) offsets(%dma_start3A_161 : memref<112xi32, #tpu.memory_space<vmem>>) semaphore(%dma_start3A_166 : memref<!tpu.dma_semaphore, #tpu.memory_space<semaphore_mem>>)
      } else {
      }
      %jit3A_78 = arith.constant 2 : i32
      %eq3A_79 = arith.constant 0 : i32
      %eq3A_80 = arith.cmpi eq, %jit3A_78, %eq3A_79 : i32
      %jit3A_81 = arith.constant 1 : i32
      %select_n3A_82 = arith.select %eq3A_80, %jit3A_81, %jit3A_78 : i32
      %rem3A_83 = arith.remsi %scan3A_47, %select_n3A_82 : i32
      %ne3A_84 = arith.constant 0 : i32
      %ne3A_85 = arith.cmpi ne, %rem3A_83, %ne3A_84 : i32
      %lt3A_86 = arith.constant 0 : i32
      %lt3A_87 = arith.cmpi slt, %rem3A_83, %lt3A_86 : i32
      %lt3A_88 = arith.constant 0 : i32
      %lt3A_89 = arith.cmpi slt, %select_n3A_82, %lt3A_88 : i32
      %ne3A_90 = arith.xori %lt3A_87, %lt3A_89 : i1
      %and3A_91 = arith.andi %ne3A_90, %ne3A_85 : i1
      %add3A_92 = arith.addi %rem3A_83, %select_n3A_82 : i32
      %select_n3A_93 = arith.select %and3A_91, %add3A_92, %rem3A_83 : i32
      %mul3A_94 = arith.constant 112 : i32
      %mul3A_95 = arith.muli %select_n3A_93, %mul3A_94 : i32
      %mul3A_96 = arith.constant 112 : i32
      %mul3A_97 = arith.muli %scan3A_47, %mul3A_96 : i32
      %dma_wait3A_98 = arith.constant 0 : i32
      %dma_wait3A_99 = tpu.memref_slice %arg7[%mul3A_95, %dma_wait3A_98] : memref<224x128xf32, #tpu.memory_space<vmem>> -> memref<112x128xf32, #tpu.memory_space<vmem>>
      %dma_wait3A_100 = tpu.memref_slice %arg6[%mul3A_97] : memref<3136xi32, #tpu.memory_space<vmem>> -> memref<112xi32, #tpu.memory_space<vmem>>
      %dma_wait3A_101 = arith.constant 0 : i32
      %dma_wait3A_102 = arith.constant 0 : i32
      %dma_wait3A_103 = tpu.memref_slice %arg5[%dma_wait3A_101, %dma_wait3A_102] : memref<10000x128xf32, #tpu.memory_space<vmem_shared>> -> memref<10000x128xf32, #tpu.memory_space<vmem_shared>>
      %dma_wait3A_104 = tpu.memref_slice %arg8[%select_n3A_93] : memref<2x!tpu.dma_semaphore, #tpu.memory_space<semaphore_mem>> -> memref<1x!tpu.dma_semaphore, #tpu.memory_space<semaphore_mem>>
      %dma_wait3A_105 = tpu.memref_squeeze %dma_wait3A_104 : memref<1x!tpu.dma_semaphore, #tpu.memory_space<semaphore_mem>> -> memref<!tpu.dma_semaphore, #tpu.memory_space<semaphore_mem>>
      tpu.wait_indirect_dma semaphore(%dma_wait3A_105 : memref<!tpu.dma_semaphore, #tpu.memory_space<semaphore_mem>>) src(%dma_wait3A_103 : memref<10000x128xf32, #tpu.memory_space<vmem_shared>>) dst(%dma_wait3A_99 : memref<112x128xf32, #tpu.memory_space<vmem>>)
      %jit3A_106 = arith.constant 2 : i32
      %eq3A_107 = arith.constant 0 : i32
      %eq3A_108 = arith.cmpi eq, %jit3A_106, %eq3A_107 : i32
      %jit3A_109 = arith.constant 1 : i32
      %select_n3A_110 = arith.select %eq3A_108, %jit3A_109, %jit3A_106 : i32
      %rem3A_111 = arith.remsi %scan3A_47, %select_n3A_110 : i32
      %ne3A_112 = arith.constant 0 : i32
      %ne3A_113 = arith.cmpi ne, %rem3A_111, %ne3A_112 : i32
      %lt3A_114 = arith.constant 0 : i32
      %lt3A_115 = arith.cmpi slt, %rem3A_111, %lt3A_114 : i32
      %lt3A_116 = arith.constant 0 : i32
      %lt3A_117 = arith.cmpi slt, %select_n3A_110, %lt3A_116 : i32
      %ne3A_118 = arith.xori %lt3A_115, %lt3A_117 : i1
      %and3A_119 = arith.andi %ne3A_118, %ne3A_113 : i1
      %add3A_120 = arith.addi %rem3A_111, %select_n3A_110 : i32
      %select_n3A_121 = arith.select %and3A_119, %add3A_120, %rem3A_111 : i32
      %mul3A_122 = arith.constant 112 : i32
      %mul3A_123 = arith.muli %select_n3A_121, %mul3A_122 : i32
      %mul3A_124 = arith.constant 112 : i32
      %mul3A_125 = arith.muli %scan3A_47, %mul3A_124 : i32
      %add3A_126 = arith.addi %min3A_3, %mul3A_125 : i32
      %dma_start3A_127 = arith.constant 0 : i32
      %dma_start3A_128 = tpu.memref_slice %arg7[%mul3A_123, %dma_start3A_127] : memref<224x128xf32, #tpu.memory_space<vmem>> -> memref<112x128xf32, #tpu.memory_space<vmem>>
      %dma_start3A_129 = arith.constant 0 : i32
      %dma_start3A_130 = tpu.memref_slice %arg4[%add3A_126, %dma_start3A_129] : memref<100000x128xf32, #tpu.memory_space<hbm>> -> memref<112x128xf32, #tpu.memory_space<hbm>>
      %dma_start3A_131 = tpu.memref_slice %arg9[%select_n3A_121] : memref<2x!tpu.dma_semaphore, #tpu.memory_space<semaphore_mem>> -> memref<1x!tpu.dma_semaphore, #tpu.memory_space<semaphore_mem>>
      %dma_start3A_132 = tpu.memref_squeeze %dma_start3A_131 : memref<1x!tpu.dma_semaphore, #tpu.memory_space<semaphore_mem>> -> memref<!tpu.dma_semaphore, #tpu.memory_space<semaphore_mem>>
      %dma_start3A_133 = arith.constant 0 : i32
      %dma_start3A_134 = tpu.memref_slice %arg4[%add3A_126, %dma_start3A_133] : memref<100000x128xf32, #tpu.memory_space<hbm>> -> memref<112x128xf32, #tpu.memory_space<hbm>>
      %dma_start3A_135 = arith.constant 0 : i32
      %dma_start3A_136 = tpu.memref_slice %arg7[%mul3A_123, %dma_start3A_135] : memref<224x128xf32, #tpu.memory_space<vmem>> -> memref<112x128xf32, #tpu.memory_space<vmem>>
      tpu.enqueue_dma source(%dma_start3A_136 : memref<112x128xf32, #tpu.memory_space<vmem>>) target(%dma_start3A_134 : memref<112x128xf32, #tpu.memory_space<hbm>>) target_semaphore(%dma_start3A_132 : memref<!tpu.dma_semaphore, #tpu.memory_space<semaphore_mem>>)
    }
    %scan3A_32 = arith.constant 25 : i32
    %add3A_33 = arith.constant 3024 : i32
    %add3A_34 = arith.addi %min3A_3, %add3A_33 : i32
    %dma_wait3A = arith.constant 1 : i32
    %dma_wait3A_35 = arith.constant 112 : i32
    %dma_wait3A_36 = arith.constant 0 : i32
    %dma_wait3A_37 = tpu.memref_slice %arg7[%dma_wait3A_35, %dma_wait3A_36] : memref<224x128xf32, #tpu.memory_space<vmem>> -> memref<112x128xf32, #tpu.memory_space<vmem>>
    %dma_wait3A_38 = arith.constant 0 : i32
    %dma_wait3A_39 = tpu.memref_slice %arg4[%add3A_34, %dma_wait3A_38] : memref<100000x128xf32, #tpu.memory_space<hbm>> -> memref<112x128xf32, #tpu.memory_space<hbm>>
    %dma_wait3A_40 = tpu.memref_slice %arg9[%dma_wait3A] : memref<2x!tpu.dma_semaphore, #tpu.memory_space<semaphore_mem>> -> memref<1x!tpu.dma_semaphore, #tpu.memory_space<semaphore_mem>>
    %dma_wait3A_41 = tpu.memref_squeeze %dma_wait3A_40 : memref<1x!tpu.dma_semaphore, #tpu.memory_space<semaphore_mem>> -> memref<!tpu.dma_semaphore, #tpu.memory_space<semaphore_mem>>
    %dma_wait3A_42 = arith.constant 0 : i32
    %dma_wait3A_43 = tpu.memref_slice %arg4[%add3A_34, %dma_wait3A_42] : memref<100000x128xf32, #tpu.memory_space<hbm>> -> memref<112x128xf32, #tpu.memory_space<hbm>>
    %dma_wait3A_44 = arith.constant 112 : i32
    %dma_wait3A_45 = arith.constant 0 : i32
    %dma_wait3A_46 = tpu.memref_slice %arg7[%dma_wait3A_44, %dma_wait3A_45] : memref<224x128xf32, #tpu.memory_space<vmem>> -> memref<112x128xf32, #tpu.memory_space<vmem>>
    tpu.wait_dma2 semaphore(%dma_wait3A_41 : memref<!tpu.dma_semaphore, #tpu.memory_space<semaphore_mem>>) src(%dma_wait3A_46 : memref<112x128xf32, #tpu.memory_space<vmem>>) dst(%dma_wait3A_43 : memref<112x128xf32, #tpu.memory_space<hbm>>)
    return
  }
}

</mosaic_0001>

<sc_bundles>
// kernel: kernel.3.cloned.1.call-start
scs
__scs_entry_jumppad:
0x0: {  	(pc) =	sbr.rel $0x88, $3  }
0x1: {  	(tag) =	ssettag $0x0;
	lr =	simm.s32 $0x1  }
0x2: {  	[smem:$0x3F9F] =	sst lr;
	_ =	strace $0xD0000000  }
0x3: {  	_ = 	snop  }
0x4: {  	_ = 	snop  }
0x5: {  	_ = 	snop  }
0x6: {  	_ = 	snop  }
0x7: {  	_ = 	snop  }
__scs_overlays_trampoline_lowered:
0x8: {  	[smem:$0x3FAE] =	sst s0  }
0x9: {  	[smem:$0x3FAF] =	sst s1  }
0xa: {  	[smem:$0x3FB0] =	sst s2  }
0xb: {  	[smem:$0x3FB1] =	sst s3  }
0xc: {  	[smem:$0x3FB2] =	sst s4  }
0xd: {  	[smem:$0x3FB3] =	sst s5  }
0xe: {  	[smem:$0x3FB4] =	sst s6  }
0xf: {  	[smem:$0x3FB5] =	sst s7  }
0x10: {  	[smem:$0x3FB6] =	sst s8  }
0x11: {  	[smem:$0x3FB7] =	sst s9;
	s0 =	simm.s32 @!p0 $0x0  }
0x12: {  	s1 =	sld [smem:$0x3F9D];
	s0 =	simm.s32 @p0 $0x1  }
0x13: {  	[smem:$0x3FB8] =	sst s0;
	s0 =	simm.s32 @!p1 $0x0  }
0x14: {  	s2 =	sld [smem:$0x3F9C];
	s0 =	simm.s32 @p1 $0x1  }
0x15: {  	[smem:$0x3FB9] =	sst s0;
	s0 =	simm.s32 @!p2 $0x0  }
0x16: {  	s3 =	sld [smem:$0x3FDB];
	s0 =	simm.s32 @p2 $0x1  }
0x17: {  	s4 =	simm.s32 $0x1BF5;
	[smem:$0x3FBB] =	sst s0  }
0x18: {  	s0 =	sld [smem:$0x3F9E];
	_ =	swait.ge [sflag:s4], $0x0  }
0x19: {  	s7 =	sld [smem:$0x3F9F]  }
0x1a: {  	s8 =	sadd.s32 $0xFFFFE003, lr  }
0x1b: {  	s9 =	sadd.s32 $0xFFFFFEF7, lr;
	s5 =	simm.s32 $0xFFFFFFFF;
	p2 =	slt.u32 s8, $0xFFFFF086  }
0x1c: {  	p1 =	slt.u32 s9, $0xF7A;
	s5 =	simm.s32 @!p2 $0x0  }
0x1d: {  	s5 =	simm.s32 @p1 $0x1;
	p0 =	seq.s32 s7, s2  }
0x1e: {  	s7 =	smul.u32 @!p0 $0xF7A, s2;
	p2 =	seq.s32 @!p0 s5, $0x0  }
0x1f: {  	s9 =	smul.u32 $0xF7A, s1;
	s8 =	simm.s32 @!p0 $0x1BF5;
	p2 =	por !p2, p0  }
0x20: {  	[sflag:s8] =	ssyncset.s32 @!p0 $0xFFFFF086;
	s6 =	sadd.s32 @!p0 s3, s7;
	s7 =	simm.s32 @!p0 $0x108  }
0x21: {  	s3 =	sadd.s32 s3, s9;
	s6 =	sadd.s32 @!p0 $0x88, s6;
	s7 =	simm.s32 @p2 $0x1082  }
0x22: {  	[simem:s7], [sflag:s8] =	dma.local @!p0 [hbm:s6], $0xF7A  }
0x23: {  	s9 =	sor.u32 $0xD0000000, s2;
	s6 =	simm.s32 $0x108;
	_ =	swait.ge @!p0 [sflag:s8], $0x0  }
0x24: {  	s3 =	sadd.s32 $0x88, s3;
	s6 =	simm.s32 @!p1 $0x1082;
	[sflag:s4] =	ssyncset.s32 $0xFFFFF086  }
0x25: {  	[simem:s6], [sflag:s4] =	dma.local [hbm:s3], $0xF7A  }
0x26: {  	[smem:$0x3F9F] =	sst s1;
	(tag) =	ssettag s2;
	_ =	strace s9  }
0x27: {  	s1 =	sld [smem:$0x3FAF]  }
0x28: {  	s2 =	sld [smem:$0x3FB0]  }
0x29: {  	s4 =	sld [smem:$0x3FB2]  }
0x2a: {  	p0 =	seq.s32 s5, $0x0;
	s5 =	sld [smem:$0x3FB3]  }
0x2b: {  	s6 =	sld [smem:$0x3FB4]  }
0x2c: {  	s7 =	sld [smem:$0x3FB5]  }
0x2d: {  	s3 =	simm.s32 $0x108;
	s8 =	sld [smem:$0x3FB6]  }
0x2e: {  	s3 =	simm.s32 @!p0 $0x1082;
	s9 =	sld [smem:$0x3FB7]  }
0x2f: {  	lr =	sadd.s32 s0, s3;
	s0 =	sld [smem:$0x3FAE]  }
0x30: {  	s3 =	sld [smem:$0x3FB1]  }
0x31: {  	[smem:$0x3FBA] =	sst s10  }
0x32: {  	s10 =	sld [smem:$0x3FB8];
	_ =	sdelay $0x3  }
0x33: {  	p0 =	seq.s32 s10, $0x1;
	s10 =	sld [smem:$0x3FBA];
	_ =	sdelay $0x3  }
0x34: {  	[smem:$0x3FBA] =	sst s10  }
0x35: {  	s10 =	sld [smem:$0x3FB9];
	_ =	sdelay $0x3  }
0x36: {  	p1 =	seq.s32 s10, $0x1;
	s10 =	sld [smem:$0x3FBA];
	_ =	sdelay $0x3  }
0x37: {  	[smem:$0x3FBA] =	sst s10  }
0x38: {  	s10 =	sld [smem:$0x3FBB]  }
0x39: {  	_ = 	snop;
	(pc) =	sbr.ind lr, $3  }
0x3a: {  	_ = 	snop  }
0x3b: {  	_ = 	snop  }
0x3c: {  	p2 =	seq.s32 s10, $0x1;
	s10 =	sld [smem:$0x3FBA]  }
0x3d: {  	_ =	shalt  }
0x3e: {  	_ =	shalt  }
0x3f: {  	_ =	shalt  }
0x40: {  	_ =	shalt  }
0x41: {  	_ =	shalt  }
0x42: {  	_ =	shalt  }
0x43: {  	_ =	shalt  }
0x44: {  	_ =	shalt  }
0x45: {  	_ =	shalt  }
0x46: {  	_ =	shalt  }
0x47: {  	_ =	shalt  }
0x48: {  	_ =	shalt  }
0x49: {  	_ =	shalt  }
0x4a: {  	_ =	shalt  }
0x4b: {  	_ =	shalt  }
0x4c: {  	_ =	shalt  }
0x4d: {  	_ =	shalt  }
0x4e: {  	_ =	shalt  }
0x4f: {  	_ =	shalt  }
0x50: {  	_ =	shalt  }
0x51: {  	_ =	shalt  }
0x52: {  	_ =	shalt  }
0x53: {  	_ =	shalt  }
0x54: {  	_ =	shalt  }
0x55: {  	_ =	shalt  }
0x56: {  	_ =	shalt  }
0x57: {  	_ =	shalt  }
0x58: {  	_ =	shalt  }
0x59: {  	_ =	shalt  }
0x5a: {  	_ =	shalt  }
0x5b: {  	_ =	shalt  }
0x5c: {  	_ =	shalt  }
0x5d: {  	_ =	shalt  }
0x5e: {  	_ =	shalt  }
0x5f: {  	_ =	shalt  }
0x60: {  	_ =	shalt  }
0x61: {  	_ =	shalt  }
0x62: {  	_ =	shalt  }
0x63: {  	_ =	shalt  }
0x64: {  	_ =	shalt  }
0x65: {  	_ =	shalt  }
0x66: {  	_ =	shalt  }
0x67: {  	_ =	shalt  }
0x68: {  	_ =	shalt  }
0x69: {  	_ =	shalt  }
0x6a: {  	_ =	shalt  }
0x6b: {  	_ =	shalt  }
0x6c: {  	_ =	shalt  }
0x6d: {  	_ =	shalt  }
0x6e: {  	_ =	shalt  }
0x6f: {  	_ =	shalt  }
0x70: {  	_ =	shalt  }
0x71: {  	_ =	shalt  }
0x72: {  	_ =	shalt  }
0x73: {  	_ =	shalt  }
0x74: {  	_ =	shalt  }
0x75: {  	_ =	shalt  }
0x76: {  	_ =	shalt  }
0x77: {  	_ =	shalt  }
0x78: {  	_ =	shalt  }
0x79: {  	_ =	shalt  }
0x7a: {  	_ =	shalt  }
0x7b: {  	_ =	shalt  }
0x7c: {  	_ =	shalt  }
0x7d: {  	_ =	shalt  }
0x7e: {  	_ =	shalt  }
0x7f: {  	_ =	shalt  }
0x80: {  	_ =	shalt  }
0x81: {  	_ =	shalt  }
0x82: {  	_ =	shalt  }
0x83: {  	_ =	shalt  }
0x84: {  	_ =	shalt  }
0x85: {  	_ =	shalt  }
0x86: {  	_ =	shalt  }
0x87: {  	_ =	shalt  }
.Lfunc_end0:
.L_simem_size_0:
called_computation_lowered:
.L_overlay_start_0:
0x88: {  	s2 =	sld [smem:$0x3FD9]  }
0x89: {  	s3 =	sld [smem:$0x3FFE];
	_ =	sdelay $0x1  }
0x8a: {  	s1 =	srdreg.scid  }
0x8b: {  	s0 =	sand.u32 $0x1, s1  }
0x8c: {  	s18 =	sshll.u32 s0, $0xA;
	s2 =	sadd.s32 s3, s2  }
0x8d: {  	s2 =	sadd.s32 s2, s18  }
0x8e: {  	[smem:$0x3FC6] =	sst s2  }
0x8f: {  	_ = 	snop  }
0x90: {  	s2 =	sld [smem:$0x3FC9]  }
0x91: {  	s19 =	sld [smem:$0x3FC8]  }
0x92: {  	s4 =	sld [smem:$0x3FD0];
	(tm) =	ssettm $0x1  }
0x93: {  	s5 =	sld [smem:$0x3FFB];
	_ =	sdelay $0x3  }
0x94: {  	_ =	strace s5  }
0x95: {  	s5 =	sld [smem:$0x3FFC];
	_ =	sdelay $0x3  }
0x96: {  	_ =	strace s5  }
0x97: {  	s5 =	sld [smem:$0x3FFD];
	_ =	sdelay $0x3  }
0x98: {  	_ =	strace s5  }
0x99: {  	_ =	strace $0x8FFFFFFF  }
0x9a: {  	s20 =	sld [smem:$0x3FDB];
	_ =	sdelay $0x1  }
0x9b: {  	s6 =	simm.s32 $_scs_section_size  }
0x9c: {  	s7 =	simm.s32 $_size__tile_overlayer_lowered;
	s8 =	simm.s32 $_tile_overlayer_lowered  }
0x9d: {  	s23 =	simm.s32 $0x1BFF;
	s22 =	sshll.u32 s8, $0x1;
	s5 =	sadd.s32 s6, s20  }
0x9e: {  	s9 =	simm.s32 $0x0;
	s21 =	sshll.u32 s7, $0x1;
	s7 =	sadd.s32 s22, s5  }
0x9f: {  	[timem:s9], [sflag:s23] =	dma.local [hbm:s7], s21  }
0xa0: {  	_ =	swait.ge [sflag:s23], s21  }
0xa1: {  	s6 =	ssub.s32 $0x0, s21;
	[sflag:s23] =	ssyncset.done $0x0  }
0xa2: {  	[sflag:s23] =	ssyncadd.s32 s6;
	_ =	sdelay $0x1  }
0xa3: {  	s24 =	simm.s32 $0x1B8B  }
0xa4: {  	_ =	swait.ge [sflag:s24], $0x1  }
0xa5: {  	[sflag:s24] =	ssyncset.done $0x0  }
0xa6: {  	s25 =	simm.s32 $0x1B8E;
	[sflag:s24] =	ssyncadd.s32 $0xFFFFFFFF  }
0xa7: {  	s26 =	simm.s32 $execute0_lowered;
	[smem:$0x3FD2] =	sst s25  }
0xa8: {  	s6 =	sshll.u32 s26, $0x1;
	_ =	strace $0x80000046;
	[dreg:$0x1] =	wrdreg $0xFFFFFFFF  }
0xa9: {  	s28 =	simm.s32 $_size_execute0_lowered;
	s5 =	sadd.s32 s5, s6;
	[dreg:$0x0] =	wrdreg $0x0  }
0xaa: {  	s6 =	sshll.u32 s28, $0x1;
	[dreg:$0x2] =	wrdreg s5  }
0xab: {  	[dreg:$0x3] =	wrdreg s6  }
0xac: {  	[dreg:$0x4] =	wrdreg $0xC0  }
0xad: {  	_ =	task [dreg:s9], $0x5FFFF  }
0xae: {  	[dreg:$0x1] =	wrdreg $0xFFFFFFFF  }
0xaf: {  	[dreg:$0x0] =	wrdreg $0x60  }
0xb0: {  	[dreg:$0x2] =	wrdreg s2  }
0xb1: {  	[dreg:$0x3] =	wrdreg s19  }
0xb2: {  	[dreg:$0x4] =	wrdreg s4  }
0xb3: {  	[dreg:$0x5] =	wrdreg $0x0  }
0xb4: {  	[dreg:$0x6] =	wrdreg $0x9  }
0xb5: {  	_ =	task.clear_ibuf [dreg:s9], $0x7FFFF;
	_ =	strace $0x90000046  }
0xb6: {  	s29 =	simm.s32 $0x9;
	_ =	strace $0x80000048  }
0xb7: {  	_ =	swait.ge [sflag:s29], $0x1  }
0xb8: {  	[sflag:s29] =	ssyncadd.s32 $0xFFFFFFFF  }
0xb9: {  	_ =	strace $0x90000048  }
0xba: {  	_ =	sfence  }
0xbb: {  	s30 =	sld [smem:$0x0];
	_ =	sdelay $0x2  }
0xbc: {  	s31 =	sshll.u32 s1, $0xD;
	s1 =	sshrl.u32 s1, $0x2  }
0xbd: {  	s3 =	sand.u32 $0x4000, s31;
	s1 =	sadd.s32 s1, s30  }
0xbe: {  	s0 =	sor.u32 s3, s0;
	s1 =	sshll.u32 s1, $0x11  }
0xbf: {  	s0 =	sor.u32 s1, s0  }
0xc0: {  	s0 =	sadd.s32 $0x8F2B, s0  }
0xc1: {  	[sflag:s0] =	ssyncadd.remote.s32 $0x1  }
0xc2: {  	_ =	sfence.sel $0xFFFF  }
0xc3: {  	[dreg:$0x0] =	wrdreg $0xFFFFFFFF;
	(pc) =	sbr.abs _section_cstart, $3  }
0xc4: {  	[dreg:$0x1] =	wrdreg $0xFFFFFFFF  }
0xc5: {  	_ =	task.clear_ibuf [dreg:s9], $0x2FFFF;
	_ =	strace $0x9FFFFFFF  }
0xc6: {  	(tm) =	ssettm $0x7FFFFFFF  }
0xc7: {  	_ =	shalt  }
tec
execute0_lowered:
.L_overlay_start_1:
0x0: {  	(tag) =	ssettag $0x1  }
0x1: {  	s1 =	rddreg [dreg:$0x0]  }
0x2: {  	s9 =	rddreg [dreg:$0x1]  }
0x3: {  	s3 =	rddreg [dreg:$0x2]  }
0x4: {  	s4 =	rddreg [dreg:$0x3]  }
0x5: {  	s6 =	srdreg.scid;
	s0 =	stileid.u32;
	s5 =	simm.s32 $0x0  }
0x6: {  	s15 =	simm.s32 $0x6;
	s16 =	simm.s32 $0x70;
	s18 =	simm.s32 $0x5  }
0x7: {  	s19 =	simm.s32 $0x139D0;
	s20 =	simm.s32 $0x17D00;
	s21 =	simm.s32 $0x3  }
0x8: {  	s22 =	simm.s32 $0x2;
	s23 =	simm.s32 $0x4;
	s24 =	simm.s32 $0x0  }
0x9: {  	s6 =	sand.u32 $0x1, s6;
	s7 =	sshll.u32 s0, $0x1;
	s8 =	smul.u32 $0x278, s0  }
0xa: {  	[smem:$0x7FF] =	sst s5;
	s11 =	smul.u32 $0x1880, s0;
	s26 =	sshll.u32 s0, $0x6  }
0xb: {  	s7 =	sor.u32 s6, s7;
	_ =	strace $0x80000047;
	s10 =	ssub.s32 $0x2, s6  }
0xc: {  	s14 =	smul.u32 $0xC40, s6;
	s8 =	smin.u32 s8, $0x2498;
	s12 =	sshrl.u32 s10, $0x1  }
0xd: {  	s7 =	smul.u32 $0xC40, s7;
	s13 =	sshll.u32 s8, $0x7;
	s10 =	ssub.s32 s10, s12  }
0xe: {  	s25 =	sshll.u32 s8, $0x4;
	s11 =	sadd.s32 s14, s11;
	s8 =	sor.u32 $0x1C05, s26  }
0xf: {  	s14 =	simm.s32 $0x13880;
	s6 =	smin.u32 s7, $0x17A60;
	s13 =	sadd.s32 s13, s4  }
0x10: {  	s7 =	sadd.s32 s1, s25;
	s11 =	smin.u32 s11, $0x17A60;
	s10 =	smax.u32 s10, $0x1  }
0x11: {  	s28 =	sshrl.u32 s6, $0x3;
	s29 =	sshll.u32 s6, $0x4;
	s11 =	sshll.u32 s11, $0x4  }
0x12: {  	s13 =	sshrl.u32 s13, $0x3;
	s30 =	sadd.s32 s3, s29;
	s31 =	sadd.s32 s11, s3  }
0x13: {  	s9 =	sadd.s32 s9, s28;
	s11 =	sadd.s32 $0xBD00, s30;
	s12 =	sadd.s32 $0x1500, s31  }
.LBB2_1:
0x14: {  	[spmem:s13], [sflag:s8] =	dma.local [hbm:s7], $0x2780  }
0x15: {  	[tilespmem:s14], [sflag:$0x6] =	stream.linear.gather [hbm4b:s9+s5], $0xC40, $0x38;
	[tilespmem:$0x1B500] =	vst v63  }
.Ltmp0:
0x16: {  	_ = 	snop;
	(pc) =	sbr.rel .LBB2_2-.Ltmp0, $4  }
0x17: {  	_ =	swait.ge [sflag:s15], $0xC40  }
0x18: {  	[sflag:s15] =	ssyncset.done $0x0  }
0x19: {  	s0 =	simm.s32 $0x14500;
	s25 =	simm.s32 $0x0;
	[sflag:s15] =	ssyncadd.s32 $0xFFFFF3C0  }
0x1a: {  	[tilespmem:s0], [sflag:$0x1] =	stream.indirect.gather [hbm4b:s1+s16], $0x80, s14, s16, $0xb8;
	[tilespmem:$0x1B500] =	vst v63  }
.LBB2_4:
0x1b: {  	_ =	swait.ge [sflag:s18], $0x2780  }
0x1c: {  	[sflag:s18] =	ssyncset.done $0x0  }
0x1d: {  	[sflag:s18] =	ssyncadd.s32 $0xFFFFD880  }
0x1e: {  	s28 =	simm.s32 $0x3;
	s26 =	simm.s32 $0x0;
	[bflag:$0x0] =	sbarrier.arrive $0xFFFF  }
0x1f: {  	[tilespmem:s20], [sflag:$0x2] =	stream.indirect.gather [spmem:s4], $0x80, s19, s16, $0xb8;
	[tilespmem:$0x1B500] =	vst v63  }
.LBB2_5:
0x20: {  	s29 =	sadd.s32 $0x1, s26;
	s25 =	smul.u32 $0x70, s25  }
0x21: {  	s30 =	smul.u32 $0xE000, s26;
	p0 =	slt.u32 s28, $0x3;
	_ =	swait.ge [sflag:s29], $0x3800  }
.Ltmp1:
0x22: {  	[sflag:s29] =	ssyncset.done $0x0;
	s25 =	sadd.s32 s6, s25;
	(pc) =	sbr.rel @!p0 .LBB2_6-.Ltmp1, $4  }
0x23: {  	[sflag:s29] =	ssyncadd.s32 $0xFFFFC800;
	s29 =	sshrl.u32 s30, $0x2;
	s25 =	sshll.u32 s25, $0x4  }
0x24: {  	s31 =	sadd.s32 $0x3, s26;
	s29 =	sor.u32 $0x14500, s29;
	s25 =	sadd.s32 s3, s25  }
0x25: {  	[hbm4b:s25+s5] =	stream.linear.scatter [tilespmem:s29], [sflag:s31], $0x3800, $0x38;
	[tilespmem:$0x1B500] =	vst v63  }
0x26: {  	s26 =	simm.s32 $0x13A40;
	s29 =	simm.s32 $0x4;
	s25 =	smov.u32 s28  }
.LBB2_2:
0x27: {  	p0 =	seq.s32 s25, $0x0  }
0x28: {  	p1 =	seq.s32 @!p0 s25, $0x2  }
0x29: {  	s26 =	sand.u32 @!p0 $0x1, s25;
	p1 =	por p0, !p1  }
.Ltmp2:
0x2a: {  	s28 =	sxor.u32 @!p0 $0x1, s26;
	(pc) =	sbr.rel @!p1 .LBB2_4-.Ltmp2, $4  }
0x2b: {  	s28 =	sadd.s32 @!p0 $0x3, s28  }
0x2c: {  	_ =	swait.ge @!p0 [sflag:s28], $0x3800  }
0x2d: {  	[sflag:s28] =	ssyncset.done @!p0 $0x0  }
0x2e: {  	[sflag:s28] =	ssyncadd.s32 @!p0 $0xFFFFC800  }
0x2f: {  	s28 =	simm.s32 @!p0 $0x2  }
0x30: {  	s28 =	simm.s32 @p0 $0x1  }
0x31: {  	s29 =	sand.u32 $0x1, s28;
	s31 =	smul.u32 $0x1C0, s28  }
0x32: {  	s30 =	smul.u32 $0xE000, s29  }
.Ltmp3:
0x33: {  	_ = 	snop;
	(pc) =	sbr.rel .LBB2_5-.Ltmp3, $4  }
0x34: {  	_ = 	snop  }
0x35: {  	s26 =	simm.s32 @p0 $0x0;
	s31 =	sshrl.u32 s31, $0x2;
	s30 =	sshrl.u32 s30, $0x2  }
0x36: {  	s29 =	sadd.s32 $0x1, s29;
	s31 =	sadd.s32 $0x13880, s31;
	s30 =	sor.u32 $0x14500, s30  }
0x37: {  	[tilespmem:s30], [sflag:s29] =	stream.indirect.gather [hbm4b:s1+s16], $0x80, s31, s16, $0xb8;
	[tilespmem:$0x1B500] =	vst v63  }
.LBB2_6:
0x38: {  	s25 =	simm.s32 $0x3  }
0x39: {  	s28 =	sand.u32 $0x1, s29;
	s30 =	sand.u32 $0x1, s25  }
0x3a: {  	s29 =	smul.u32 $0xE000, s28;
	s25 =	sxor.u32 $0x1, s30  }
0x3b: {  	s25 =	sadd.s32 $0x3, s25  }
0x3c: {  	s31 =	smul.u32 $0xE000, s30;
	s29 =	sshrl.u32 s29, $0x2;
	_ =	swait.ge [sflag:s25], $0x3800  }
0x3d: {  	s28 =	sadd.s32 $0x1, s28;
	s17 =	sor.u32 $0x14500, s29;
	[sflag:s25] =	ssyncset.done $0x0  }
0x3e: {  	s29 =	sadd.s32 $0x1, s30;
	s31 =	sshrl.u32 s31, $0x2;
	[sflag:s25] =	ssyncadd.s32 $0xFFFFC800  }
0x3f: {  	[tilespmem:s17], [sflag:s28] =	stream.indirect.gather [spmem:s4], $0x80, s26, s16, $0xb8;
	[tilespmem:$0x1B500] =	vst v63  }
0x40: {  	s30 =	sadd.s32 $0x3, s30;
	s31 =	sor.u32 $0x14500, s31;
	_ =	swait.ge [sflag:s29], $0x3800  }
0x41: {  	s25 =	simm.s32 $0x5;
	s26 =	sadd.s32 $0x700, s12;
	[sflag:s29] =	ssyncset.done $0x0  }
0x42: {  	s28 =	simm.s32 $0x13AB0;
	[sflag:s29] =	ssyncadd.s32 $0xFFFFC800;
	s29 =	smov.u32 s12  }
.LBB2_7:
0x43: {  	[hbm4b:s29+s5] =	stream.linear.scatter [tilespmem:s31], [sflag:s30], $0x3800, $0x38;
	[tilespmem:$0x1B500] =	vst v63  }
0x44: {  	s30 =	smov.u32 s25;
	s29 =	smov.u32 s26  }
0x45: {  	p0 =	sne.s32 s25, $0x1B;
	s25 =	sadd.s32 $0x1, s25;
	s31 =	sadd.s32 $0xFFFFFFFF, s30  }
0x46: {  	s31 =	sand.u32 $0x1, s31  }
0x47: {  	s30 =	sand.u32 $0x1, s30;
	s0 =	sxor.u32 $0x1, s31;
	s2 =	smul.u32 $0xE000, s31  }
0x48: {  	s17 =	smul.u32 $0xE000, s30;
	s0 =	sadd.s32 $0x3, s0  }
0x49: {  	_ =	swait.ge [sflag:s0], $0x3800;
	s2 =	sshrl.u32 s2, $0x2  }
0x4a: {  	s30 =	sadd.s32 $0x1, s30;
	s17 =	sshrl.u32 s17, $0x2;
	[sflag:s0] =	ssyncset.done $0x0  }
0x4b: {  	[sflag:s0] =	ssyncadd.s32 $0xFFFFC800  }
.Ltmp4:
0x4c: {  	s0 =	sor.u32 $0x14500, s17;
	s17 =	sadd.s32 $0x1, s31;
	(pc) =	sbr.rel @p0 .LBB2_7-.Ltmp4, $4  }
0x4d: {  	[tilespmem:s0], [sflag:s30] =	stream.indirect.gather [spmem:s4], $0x80, s28, s16, $0xb8;
	[tilespmem:$0x1B500] =	vst v63  }
0x4e: {  	_ =	swait.ge [sflag:s17], $0x3800  }
0x4f: {  	s26 =	sadd.s32 $0x700, s26;
	s28 =	sadd.s32 $0x70, s28;
	[sflag:s17] =	ssyncset.done $0x0  }
0x50: {  	s30 =	sadd.s32 $0x3, s31;
	s31 =	sor.u32 $0x14500, s2;
	[sflag:s17] =	ssyncadd.s32 $0xFFFFC800  }
0x51: {  	[hbm4b:s29+s5] =	stream.linear.scatter [tilespmem:s31], [sflag:s30], $0x3800, $0x38;
	[tilespmem:$0x1B500] =	vst v63  }
0x52: {  	_ =	swait.ge [sflag:s21], $0x3800  }
0x53: {  	[sflag:s21] =	ssyncset.done $0x0  }
0x54: {  	[sflag:s21] =	ssyncadd.s32 $0xFFFFC800  }
0x55: {  	s24 =	sadd.s32 $0x1, s24;
	_ =	swait.ge [sflag:s22], $0x3800  }
0x56: {  	p0 =	sne.s32 s24, s10;
	[sflag:s22] =	ssyncset.done $0x0  }
.Ltmp5:
0x57: {  	[sflag:s22] =	ssyncadd.s32 $0xFFFFC800;
	(pc) =	sbr.rel @p0 .LBB2_1-.Ltmp5, $4  }
0x58: {  	[hbm4b:s11+s5] =	stream.linear.scatter [tilespmem:s20], [sflag:$0x4], $0x3800, $0x38;
	[tilespmem:$0x1B500] =	vst v63  }
0x59: {  	_ =	swait.ge [sflag:s23], $0x3800  }
0x5a: {  	[sflag:s23] =	ssyncset.done $0x0  }
0x5b: {  	[sflag:s23] =	ssyncadd.s32 $0xFFFFC800  }
0x5c: {  	_ =	sfence.sel $0x180000  }
0x5d: {  	[bflag:$0x0] =	sbarrier.arrive $0xFFFF  }
0x5e: {  	_ =	strace $0x90000047  }
0x5f: {  	s0 =	stileid.u32;
	[bflag:$0x2] =	sbarrier.arrive $0xFFFF  }
0x60: {  	p0 =	sne.s32 s0, $0x0;
	s0 =	rddreg [dreg:$0x4]  }
0x61: {  	s0 =	sadd.s32 @!p0 $0x100000, s0  }
0x62: {  	[sflag:s0] =	ssyncadd.tile.s32 @!p0 $0x1;
	_ =	shalt  }
.Lfunc_end2:
_tile_overlayer_lowered:
.L_overlay_start_2:
0x63: {  	(tag) =	ssettag $0x2  }
0x64: {  	s0 =	rddreg [dreg:$0x0];
	s2 =	stileid.u32  }
0x65: {  	s1 =	rddreg [dreg:$0x1];
	p0 =	sne.s32 s2, $0x0  }
0x66: {  	s3 =	rddreg [dreg:$0x2];
	[bflag:$0x3] =	sbarrier.arrive $0xFFFF;
	s2 =	simm.s32 @!p0 $0x1C06  }
0x67: {  	[timem:s3], [sflag:s2] =	dma.local @!p0 [hbm:s0], s1  }
0x68: {  	s0 =	simm.s32 @!p0 $0x6  }
0x69: {  	_ =	swait.ge @!p0 [sflag:s0], s1  }
0x6a: {  	s1 =	ssub.s32 @!p0 $0x0, s1;
	[sflag:s0] =	ssyncset.done @!p0 $0x0  }
0x6b: {  	[sflag:s0] =	ssyncadd.s32 @!p0 s1  }
0x6c: {  	[bflag:$0x3] =	sbarrier.arrive $0xFFFF  }
0x6d: {  	_ =	shalt  }

</sc_bundles>
